<compile_context>
chip_gen: v7x
topology: tpu7x:2x2x1
jax: 0.10.2.dev20260603
libtpu: 0.0.44.dev20260713+nightly
codegen_flags: <defaults>
</compile_context>

<pallas_src>
import jax
import jax.numpy as jnp
from jax import lax
from jax.experimental import pallas as pl
from jax.experimental.pallas import tpu as pltpu
from jax.experimental.pallas import tpu_sc as plsc

N, E, D = 10000, 320000, 128
NC, NS, L = 2, 16, 16
NW = NC * NS
EPW = E // NW
CH = 100
NCH = EPW // CH
RPT = N // NS
BLK = 1000


def _mesh():
    return plsc.VectorSubcoreMesh(
        core_axis_name="c", subcore_axis_name="s",
        num_cores=NC, num_subcores=NS)


def _deg_body(dst_hbm, degp_hbm, idx_v, hist_v):
    cid = lax.axis_index("c")
    sid = lax.axis_index("s")
    wid = cid * NS + sid
    pltpu.sync_copy(dst_hbm.at[wid], idx_v)

    def zero(i, _):
        hist_v[pl.ds(i * L, L)] = jnp.zeros((L,), jnp.float32)
        return 0
    lax.fori_loop(0, N // L, zero, 0)

    ones = jnp.ones((L,), jnp.float32)

    def body(i, _):
        idx = idx_v[pl.ds(i * L, L)]
        plsc.addupdate_scatter(hist_v, [idx], ones)
        return 0
    lax.fori_loop(0, EPW // L, body, 0)
    pltpu.sync_copy(hist_v, degp_hbm.at[wid])


_deg_call = pl.kernel(
    _deg_body,
    out_type=jax.ShapeDtypeStruct((NW, N), jnp.float32),
    mesh=_mesh(),
    scratch_types=[
        pltpu.VMEM((EPW,), jnp.int32),
        pltpu.VMEM((N,), jnp.float32),
    ],
    compiler_params=pltpu.CompilerParams(needs_layout_passes=False),
)


def _mid_body(x_ref, w_ref, degp_ref, hs_ref, dis_ref):
    deg = jnp.sum(degp_ref[...], axis=1) + 1.0
    dis = lax.rsqrt(deg)
    h = jnp.dot(x_ref[...], w_ref[...], preferred_element_type=jnp.float32)
    hs_ref[...] = h * dis[:, None]
    dis_ref[...] = dis[:, None]


def _mid_call(x, W, degp):
    return pl.pallas_call(
        _mid_body,
        grid=(N // BLK,),
        in_specs=[
            pl.BlockSpec((BLK, D), lambda i: (i, 0)),
            pl.BlockSpec((D, D), lambda i: (0, 0)),
            pl.BlockSpec((BLK, NW), lambda i: (i, 0)),
        ],
        out_specs=[
            pl.BlockSpec((BLK, D), lambda i: (i, 0)),
            pl.BlockSpec((BLK, 1), lambda i: (i, 0)),
        ],
        out_shape=[
            jax.ShapeDtypeStruct((N, D), jnp.float32),
            jax.ShapeDtypeStruct((N, 1), jnp.float32),
        ],
    )(x, W, degp)


def _edge_body(hs_hbm, src_hbm, dst_hbm, sp_hbm, srcv, dstv, rows0, rows1,
               acc, gsem0, gsem1, ssem0, ssem1):
    cid = lax.axis_index("c")
    sid = lax.axis_index("s")
    wid = cid * NS + sid
    pltpu.sync_copy(src_hbm.at[wid], srcv)
    pltpu.sync_copy(dst_hbm.at[wid], dstv)
    pltpu.async_copy(hs_hbm.at[srcv.at[0]], rows0, gsem0)
    pltpu.async_copy(hs_hbm.at[srcv.at[1]], rows1, gsem1)
    pltpu.sync_copy(hs_hbm.at[pl.ds(sid * RPT, RPT)],
                    acc.at[pl.ds(sid * RPT, RPT)])
    plsc.subcore_barrier()

    def outer(g, _):
        j0 = 2 * g
        j1 = j0 + 1
        pltpu.make_async_copy(hs_hbm.at[srcv.at[j0]], rows0, gsem0).wait()

        @pl.when(j1 + 1 < NCH)
        def _():
            pltpu.async_copy(hs_hbm.at[srcv.at[j1 + 1]], rows0, gsem0)

        pltpu.make_async_copy(hs_hbm.at[srcv.at[j1]], rows1, gsem1).wait()

        @pl.when(j1 + 2 < NCH)
        def _():
            pltpu.async_copy(hs_hbm.at[srcv.at[j1 + 2]], rows1, gsem1)
        return 0
    lax.fori_loop(0, NCH // 2, outer, 0)
    plsc.subcore_barrier()
    pltpu.sync_copy(acc.at[pl.ds(sid * RPT, RPT)], sp_hbm.at[cid, sid])


_edge_call = pl.kernel(
    _edge_body,
    out_type=jax.ShapeDtypeStruct((NC, NS, RPT, D), jnp.float32),
    mesh=_mesh(),
    scratch_types=[
        pltpu.VMEM((NCH, CH), jnp.int32),
        pltpu.VMEM((NCH, CH), jnp.int32),
        pltpu.VMEM((CH, D), jnp.float32),
        pltpu.VMEM((CH, D), jnp.float32),
        pltpu.VMEM_SHARED((N, D), jnp.float32),
        pltpu.SemaphoreType.DMA,
        pltpu.SemaphoreType.DMA,
        pltpu.SemaphoreType.DMA,
        pltpu.SemaphoreType.DMA,
    ],
    compiler_params=pltpu.CompilerParams(
        needs_layout_passes=False, use_tc_tiling_on_sc=False),
)


def _fin_body(sp_ref, hs_ref, dis_ref, b_ref, out_ref):
    s = sp_ref[0] + sp_ref[1] - hs_ref[...]
    out_ref[...] = dis_ref[...] * s + b_ref[...]


def _fin_call(sp, hs, dis, b2):
    return pl.pallas_call(
        _fin_body,
        grid=(N // BLK,),
        in_specs=[
            pl.BlockSpec((NC, BLK, D), lambda i: (0, i, 0)),
            pl.BlockSpec((BLK, D), lambda i: (i, 0)),
            pl.BlockSpec((BLK, 1), lambda i: (i, 0)),
            pl.BlockSpec((1, D), lambda i: (0, 0)),
        ],
        out_specs=pl.BlockSpec((BLK, D), lambda i: (i, 0)),
        out_shape=jax.ShapeDtypeStruct((N, D), jnp.float32),
    )(sp, hs, dis, b2)


def kernel(x, edge_index, W, b):
    ei = edge_index.astype(jnp.int32)
    src3 = ei[0].reshape(NW, NCH, CH)
    dst3 = ei[1].reshape(NW, NCH, CH)
    dst2 = ei[1].reshape(NW, EPW)
    degp = _deg_call(dst2).T
    hs, dis = _mid_call(x, W, degp)
    sp = _edge_call(hs, src3, dst3).reshape(NC, N, D)
    return _fin_call(sp, hs, dis, b.reshape(1, D))

# --- scband reference (transcript-rebuilt; emitter-appended) ---
"""Pipeline reference for scband-gcn-23888608100977 (READ-ONLY COPY).

The authoritative reference and input builder live on the scoring server;
editing this copy changes nothing except your own understanding.
"""

import jax, jax.numpy as jnp
import numpy as np

N, E, D_IN, D_OUT = 10000, 320000, 128, 128

def setup_inputs(seed: int = 0) -> dict:
    key = jax.random.key(seed)
    k1, k2, k3 = jax.random.split(key, 3)
    x = jax.random.normal(k1, (N, D_IN), dtype=jnp.float32)
    edge_index = jax.random.randint(k2, (2, E), 0, N)
    W = jax.random.normal(k3, (D_IN, D_OUT), dtype=jnp.float32) * (1.0 / np.sqrt(D_IN))
    b = jnp.zeros((D_OUT,), dtype=jnp.float32)
    return {"x": x, "edge_index": edge_index, "W": W, "b": b}

def reference(x, edge_index, W, b):
    # Standard GCN convolution (Kipf & Welling): D^{-1/2} (A+I) D^{-1/2} X W + b
    n = x.shape[0]
    loop = jnp.arange(n, dtype=edge_index.dtype)
    src = jnp.concatenate([edge_index[0], loop])
    dst = jnp.concatenate([edge_index[1], loop])
    deg = jnp.zeros((n,), dtype=x.dtype).at[dst].add(1.0)
    deg_inv_sqrt = jnp.where(deg > 0, 1.0 / jnp.sqrt(deg), 0.0)
    norm = deg_inv_sqrt[src] * deg_inv_sqrt[dst]
    h = x @ W
    msgs = h[src] * norm[:, None]
    out = jnp.zeros((n, W.shape[1]), dtype=x.dtype).at[dst].add(msgs)
    return out + b

if __name__ == "__main__":
    import jax
    _d = setup_inputs()
    print(jax.jit(kernel)(*tuple(_d.values())))

</pallas_src>

<mosaic_0001>
#map = affine_map<(d0, d1) -> (0, 0)>
module attributes {stable_mosaic.version = 14 : i64} {
  func.func @_deg_body(%arg0: i32, %arg1: i32, %arg2: memref<32x10000xi32, #tpu.memory_space<hbm>>, %arg3: memref<32x10000xf32, #tpu.memory_space<hbm>>, %arg4: memref<10000xi32, #tpu.memory_space<vmem>>, %arg5: memref<10000xf32, #tpu.memory_space<vmem>>) attributes {dimension_semantics = [#tpu.dimension_semantics<core_parallel>, #tpu.dimension_semantics<subcore_parallel>], iteration_bounds = array<i64: 2, 16>, scalar_prefetch = 0 : i64, scratch_operands = 2 : i64, tpu.core_type = #tpu.core_type<sc_vector_subcore>, window_params = [{transform_indices = #map}, {transform_indices = #map}]} {
    %mul3A = arith.constant 16 : i32
    %mul3A_0 = arith.muli %arg0, %mul3A : i32
    %add3A = arith.addi %mul3A_0, %arg1 : i32
    "tpu.region"() ({
      %run_scoped3A = tpu.sem_alloc : memref<!tpu.dma_semaphore, #tpu.memory_space<semaphore_mem>>
      %dma_start3A = arith.constant 0 : i32
      %dma_start3A_15 = tpu.memref_slice %arg2[%add3A, %dma_start3A] : memref<32x10000xi32, #tpu.memory_space<hbm>> -> memref<1x10000xi32, #tpu.memory_space<hbm>>
      %dma_start3A_16 = tpu.memref_squeeze %dma_start3A_15 : memref<1x10000xi32, #tpu.memory_space<hbm>> -> memref<10000xi32, #tpu.memory_space<hbm>>
      %dma_start3A_17 = arith.constant 0 : i32
      %dma_start3A_18 = tpu.memref_slice %arg2[%add3A, %dma_start3A_17] : memref<32x10000xi32, #tpu.memory_space<hbm>> -> memref<1x10000xi32, #tpu.memory_space<hbm>>
      %dma_start3A_19 = tpu.memref_squeeze %dma_start3A_18 : memref<1x10000xi32, #tpu.memory_space<hbm>> -> memref<10000xi32, #tpu.memory_space<hbm>>
      tpu.enqueue_dma source(%dma_start3A_19 : memref<10000xi32, #tpu.memory_space<hbm>>) target(%arg4 : memref<10000xi32, #tpu.memory_space<vmem>>) target_semaphore(%run_scoped3A : memref<!tpu.dma_semaphore, #tpu.memory_space<semaphore_mem>>)
      %dma_wait3A = arith.constant 0 : i32
      %dma_wait3A_20 = tpu.memref_slice %arg2[%add3A, %dma_wait3A] : memref<32x10000xi32, #tpu.memory_space<hbm>> -> memref<1x10000xi32, #tpu.memory_space<hbm>>
      %dma_wait3A_21 = tpu.memref_squeeze %dma_wait3A_20 : memref<1x10000xi32, #tpu.memory_space<hbm>> -> memref<10000xi32, #tpu.memory_space<hbm>>
      %dma_wait3A_22 = arith.constant 0 : i32
      %dma_wait3A_23 = tpu.memref_slice %arg2[%add3A, %dma_wait3A_22] : memref<32x10000xi32, #tpu.memory_space<hbm>> -> memref<1x10000xi32, #tpu.memory_space<hbm>>
      %dma_wait3A_24 = tpu.memref_squeeze %dma_wait3A_23 : memref<1x10000xi32, #tpu.memory_space<hbm>> -> memref<10000xi32, #tpu.memory_space<hbm>>
      tpu.wait_dma2 semaphore(%run_scoped3A : memref<!tpu.dma_semaphore, #tpu.memory_space<semaphore_mem>>) src(%dma_wait3A_24 : memref<10000xi32, #tpu.memory_space<hbm>>) dst(%arg4 : memref<10000xi32, #tpu.memory_space<vmem>>)
      tpu.yield
    }) : () -> ()
    %scan3A = arith.constant 0 : i32
    %scan3A_1 = arith.constant 0 : i32
    %scan3A_2 = arith.constant 625 : i32
    %scan3A_3 = arith.addi %scan3A_1, %scan3A_2 : i32
    %scan3A_4 = arith.constant 1 : i32
    %scan3A_5 = scf.for %scan3A_15 = %scan3A_1 to %scan3A_3 step %scan3A_4 iter_args(%scan3A_16 = %scan3A) -> (i32)  : i32 {
      %broadcast_in_dim3A_17 = arith.constant 0.000000e+00 : f32
      %broadcast_in_dim3A_18 = vector.broadcast %broadcast_in_dim3A_17 : f32 to vector<16xf32>
      %mul3A_19 = arith.constant 16 : i32
      %mul3A_20 = arith.muli %scan3A_15, %mul3A_19 : i32
      %swap3A = arith.index_cast %mul3A_20 : i32 to index
      %swap3A_21 = tpu.vector_load %arg5[%swap3A] {strides = array<i32>} : memref<10000xf32, #tpu.memory_space<vmem>>, vector<16xf32>,
      tpu.vector_store %arg5[%swap3A], %broadcast_in_dim3A_18 {strides = array<i32>} : memref<10000xf32, #tpu.memory_space<vmem>>, vector<16xf32>,
      %scan3A_22 = arith.constant 0 : i32
      scf.yield %scan3A_22 : i32
    }
    %scan3A_6 = arith.constant 625 : i32
    %broadcast_in_dim3A = arith.constant 1.000000e+00 : f32
    %broadcast_in_dim3A_7 = vector.broadcast %broadcast_in_dim3A : f32 to vector<16xf32>
    %scan3A_8 = arith.constant 0 : i32
    %scan3A_9 = arith.constant 0 : i32
    %scan3A_10 = arith.constant 625 : i32
    %scan3A_11 = arith.addi %scan3A_9, %scan3A_10 : i32
    %scan3A_12 = arith.constant 1 : i32
    %scan3A_13 = scf.for %scan3A_15 = %scan3A_9 to %scan3A_11 step %scan3A_12 iter_args(%scan3A_16 = %scan3A_8) -> (i32)  : i32 {
      %mul3A_17 = arith.constant 16 : i32
      %mul3A_18 = arith.muli %scan3A_15, %mul3A_17 : i32
      %get3A = arith.index_cast %mul3A_18 : i32 to index
      %get3A_19 = tpu.vector_load %arg4[%get3A] {strides = array<i32>} : memref<10000xi32, #tpu.memory_space<vmem>>, vector<16xi32>,
      tpu.vector_store_idx %arg5[%get3A_19], %broadcast_in_dim3A_7 {add = true} : memref<10000xf32, #tpu.memory_space<vmem>>[vector<16xi32>], vector<16xf32>,
      %scan3A_20 = arith.constant 0 : i32
      scf.yield %scan3A_20 : i32
    }
    %scan3A_14 = arith.constant 625 : i32
    "tpu.region"() ({
      %run_scoped3A = tpu.sem_alloc : memref<!tpu.dma_semaphore, #tpu.memory_space<semaphore_mem>>
      %dma_start3A = arith.constant 0 : i32
      %dma_start3A_15 = tpu.memref_slice %arg3[%add3A, %dma_start3A] : memref<32x10000xf32, #tpu.memory_space<hbm>> -> memref<1x10000xf32, #tpu.memory_space<hbm>>
      %dma_start3A_16 = tpu.memref_squeeze %dma_start3A_15 : memref<1x10000xf32, #tpu.memory_space<hbm>> -> memref<10000xf32, #tpu.memory_space<hbm>>
      %dma_start3A_17 = arith.constant 0 : i32
      %dma_start3A_18 = tpu.memref_slice %arg3[%add3A, %dma_start3A_17] : memref<32x10000xf32, #tpu.memory_space<hbm>> -> memref<1x10000xf32, #tpu.memory_space<hbm>>
      %dma_start3A_19 = tpu.memref_squeeze %dma_start3A_18 : memref<1x10000xf32, #tpu.memory_space<hbm>> -> memref<10000xf32, #tpu.memory_space<hbm>>
      tpu.enqueue_dma source(%arg5 : memref<10000xf32, #tpu.memory_space<vmem>>) target(%dma_start3A_19 : memref<10000xf32, #tpu.memory_space<hbm>>) target_semaphore(%run_scoped3A : memref<!tpu.dma_semaphore, #tpu.memory_space<semaphore_mem>>)
      %dma_wait3A = arith.constant 0 : i32
      %dma_wait3A_20 = tpu.memref_slice %arg3[%add3A, %dma_wait3A] : memref<32x10000xf32, #tpu.memory_space<hbm>> -> memref<1x10000xf32, #tpu.memory_space<hbm>>
      %dma_wait3A_21 = tpu.memref_squeeze %dma_wait3A_20 : memref<1x10000xf32, #tpu.memory_space<hbm>> -> memref<10000xf32, #tpu.memory_space<hbm>>
      %dma_wait3A_22 = arith.constant 0 : i32
      %dma_wait3A_23 = tpu.memref_slice %arg3[%add3A, %dma_wait3A_22] : memref<32x10000xf32, #tpu.memory_space<hbm>> -> memref<1x10000xf32, #tpu.memory_space<hbm>>
      %dma_wait3A_24 = tpu.memref_squeeze %dma_wait3A_23 : memref<1x10000xf32, #tpu.memory_space<hbm>> -> memref<10000xf32, #tpu.memory_space<hbm>>
      tpu.wait_dma2 semaphore(%run_scoped3A : memref<!tpu.dma_semaphore, #tpu.memory_space<semaphore_mem>>) src(%arg5 : memref<10000xf32, #tpu.memory_space<vmem>>) dst(%dma_wait3A_24 : memref<10000xf32, #tpu.memory_space<hbm>>)
      tpu.yield
    }) : () -> ()
    return
  }
}

#map = affine_map<(d0, d1) -> (0, 0)>
#map1 = affine_map<(d0, d1) -> (0, 0, 0)>
#map2 = affine_map<(d0, d1) -> (0, 0, 0, 0)>
module attributes {stable_mosaic.version = 14 : i64} {
  func.func @_edge_body(%arg0: i32, %arg1: i32, %arg2: memref<10000x128xf32, #tpu.memory_space<hbm>>, %arg3: memref<32x100x100xi32, #tpu.memory_space<hbm>>, %arg4: memref<32x100x100xi32, #tpu.memory_space<hbm>>, %arg5: memref<2x16x625x128xf32, #tpu.memory_space<hbm>>, %arg6: memref<100x100xi32, #tpu.memory_space<vmem>>, %arg7: memref<100x100xi32, #tpu.memory_space<vmem>>, %arg8: memref<100x128xf32, #tpu.memory_space<vmem>>, %arg9: memref<100x128xf32, #tpu.memory_space<vmem>>, %arg10: memref<10000x128xf32, #tpu.memory_space<vmem_shared>>, %arg11: memref<!tpu.dma_semaphore, #tpu.memory_space<semaphore_mem>>, %arg12: memref<!tpu.dma_semaphore, #tpu.memory_space<semaphore_mem>>, %arg13: memref<!tpu.dma_semaphore, #tpu.memory_space<semaphore_mem>>, %arg14: memref<!tpu.dma_semaphore, #tpu.memory_space<semaphore_mem>>) attributes {dimension_semantics = [#tpu.dimension_semantics<core_parallel>, #tpu.dimension_semantics<subcore_parallel>], iteration_bounds = array<i64: 2, 16>, scalar_prefetch = 0 : i64, scratch_operands = 9 : i64, tpu.core_type = #tpu.core_type<sc_vector_subcore>, window_params = [{transform_indices = #map}, {transform_indices = #map1}, {transform_indices = #map1}, {transform_indices = #map2}]} {
    %mul3A = arith.constant 16 : i32
    %mul3A_0 = arith.muli %arg0, %mul3A : i32
    %add3A = arith.addi %mul3A_0, %arg1 : i32
    "tpu.region"() ({
      %run_scoped3A = tpu.sem_alloc : memref<!tpu.dma_semaphore, #tpu.memory_space<semaphore_mem>>
      %dma_start3A_27 = arith.constant 0 : i32
      %dma_start3A_28 = arith.constant 0 : i32
      %dma_start3A_29 = tpu.memref_slice %arg3[%add3A, %dma_start3A_27, %dma_start3A_28] : memref<32x100x100xi32, #tpu.memory_space<hbm>> -> memref<1x100x100xi32, #tpu.memory_space<hbm>>
      %dma_start3A_30 = tpu.memref_squeeze %dma_start3A_29 : memref<1x100x100xi32, #tpu.memory_space<hbm>> -> memref<100x100xi32, #tpu.memory_space<hbm>>
      %dma_start3A_31 = arith.constant 0 : i32
      %dma_start3A_32 = arith.constant 0 : i32
      %dma_start3A_33 = tpu.memref_slice %arg3[%add3A, %dma_start3A_31, %dma_start3A_32] : memref<32x100x100xi32, #tpu.memory_space<hbm>> -> memref<1x100x100xi32, #tpu.memory_space<hbm>>
      %dma_start3A_34 = tpu.memref_squeeze %dma_start3A_33 : memref<1x100x100xi32, #tpu.memory_space<hbm>> -> memref<100x100xi32, #tpu.memory_space<hbm>>
      tpu.enqueue_dma source(%dma_start3A_34 : memref<100x100xi32, #tpu.memory_space<hbm>>) target(%arg6 : memref<100x100xi32, #tpu.memory_space<vmem>>) target_semaphore(%run_scoped3A : memref<!tpu.dma_semaphore, #tpu.memory_space<semaphore_mem>>)
      %dma_wait3A = arith.constant 0 : i32
      %dma_wait3A_35 = arith.constant 0 : i32
      %dma_wait3A_36 = tpu.memref_slice %arg3[%add3A, %dma_wait3A, %dma_wait3A_35] : memref<32x100x100xi32, #tpu.memory_space<hbm>> -> memref<1x100x100xi32, #tpu.memory_space<hbm>>
      %dma_wait3A_37 = tpu.memref_squeeze %dma_wait3A_36 : memref<1x100x100xi32, #tpu.memory_space<hbm>> -> memref<100x100xi32, #tpu.memory_space<hbm>>
      %dma_wait3A_38 = arith.constant 0 : i32
      %dma_wait3A_39 = arith.constant 0 : i32
      %dma_wait3A_40 = tpu.memref_slice %arg3[%add3A, %dma_wait3A_38, %dma_wait3A_39] : memref<32x100x100xi32, #tpu.memory_space<hbm>> -> memref<1x100x100xi32, #tpu.memory_space<hbm>>
      %dma_wait3A_41 = tpu.memref_squeeze %dma_wait3A_40 : memref<1x100x100xi32, #tpu.memory_space<hbm>> -> memref<100x100xi32, #tpu.memory_space<hbm>>
      tpu.wait_dma2 semaphore(%run_scoped3A : memref<!tpu.dma_semaphore, #tpu.memory_space<semaphore_mem>>) src(%dma_wait3A_41 : memref<100x100xi32, #tpu.memory_space<hbm>>) dst(%arg6 : memref<100x100xi32, #tpu.memory_space<vmem>>)
      tpu.yield
    }) : () -> ()
    "tpu.region"() ({
      %run_scoped3A = tpu.sem_alloc : memref<!tpu.dma_semaphore, #tpu.memory_space<semaphore_mem>>
      %dma_start3A_27 = arith.constant 0 : i32
      %dma_start3A_28 = arith.constant 0 : i32
      %dma_start3A_29 = tpu.memref_slice %arg4[%add3A, %dma_start3A_27, %dma_start3A_28] : memref<32x100x100xi32, #tpu.memory_space<hbm>> -> memref<1x100x100xi32, #tpu.memory_space<hbm>>
      %dma_start3A_30 = tpu.memref_squeeze %dma_start3A_29 : memref<1x100x100xi32, #tpu.memory_space<hbm>> -> memref<100x100xi32, #tpu.memory_space<hbm>>
      %dma_start3A_31 = arith.constant 0 : i32
      %dma_start3A_32 = arith.constant 0 : i32
      %dma_start3A_33 = tpu.memref_slice %arg4[%add3A, %dma_start3A_31, %dma_start3A_32] : memref<32x100x100xi32, #tpu.memory_space<hbm>> -> memref<1x100x100xi32, #tpu.memory_space<hbm>>
      %dma_start3A_34 = tpu.memref_squeeze %dma_start3A_33 : memref<1x100x100xi32, #tpu.memory_space<hbm>> -> memref<100x100xi32, #tpu.memory_space<hbm>>
      tpu.enqueue_dma source(%dma_start3A_34 : memref<100x100xi32, #tpu.memory_space<hbm>>) target(%arg7 : memref<100x100xi32, #tpu.memory_space<vmem>>) target_semaphore(%run_scoped3A : memref<!tpu.dma_semaphore, #tpu.memory_space<semaphore_mem>>)
      %dma_wait3A = arith.constant 0 : i32
      %dma_wait3A_35 = arith.constant 0 : i32
      %dma_wait3A_36 = tpu.memref_slice %arg4[%add3A, %dma_wait3A, %dma_wait3A_35] : memref<32x100x100xi32, #tpu.memory_space<hbm>> -> memref<1x100x100xi32, #tpu.memory_space<hbm>>
      %dma_wait3A_37 = tpu.memref_squeeze %dma_wait3A_36 : memref<1x100x100xi32, #tpu.memory_space<hbm>> -> memref<100x100xi32, #tpu.memory_space<hbm>>
      %dma_wait3A_38 = arith.constant 0 : i32
      %dma_wait3A_39 = arith.constant 0 : i32
      %dma_wait3A_40 = tpu.memref_slice %arg4[%add3A, %dma_wait3A_38, %dma_wait3A_39] : memref<32x100x100xi32, #tpu.memory_space<hbm>> -> memref<1x100x100xi32, #tpu.memory_space<hbm>>
      %dma_wait3A_41 = tpu.memref_squeeze %dma_wait3A_40 : memref<1x100x100xi32, #tpu.memory_space<hbm>> -> memref<100x100xi32, #tpu.memory_space<hbm>>
      tpu.wait_dma2 semaphore(%run_scoped3A : memref<!tpu.dma_semaphore, #tpu.memory_space<semaphore_mem>>) src(%dma_wait3A_41 : memref<100x100xi32, #tpu.memory_space<hbm>>) dst(%arg7 : memref<100x100xi32, #tpu.memory_space<vmem>>)
      tpu.yield
    }) : () -> ()
    %dma_start3A = arith.constant 0 : i32
    %dma_start3A_1 = arith.constant 0 : i32
    %dma_start3A_2 = tpu.memref_slice %arg6[%dma_start3A, %dma_start3A_1] : memref<100x100xi32, #tpu.memory_space<vmem>> -> memref<1x100xi32, #tpu.memory_space<vmem>>
    %dma_start3A_3 = tpu.memref_squeeze %dma_start3A_2 : memref<1x100xi32, #tpu.memory_space<vmem>> -> memref<100xi32, #tpu.memory_space<vmem>>
    %dma_start3A_4 = arith.constant 0 : i32
    %dma_start3A_5 = arith.constant 0 : i32
    %dma_start3A_6 = tpu.memref_slice %arg2[%dma_start3A_4, %dma_start3A_5] : memref<10000x128xf32, #tpu.memory_space<hbm>> -> memref<10000x128xf32, #tpu.memory_space<hbm>>
    tpu.enqueue_indirect_dma source(%dma_start3A_6 : memref<10000x128xf32, #tpu.memory_space<hbm>>) target(%arg8 : memref<100x128xf32, #tpu.memory_space<vmem>>) offsets(%dma_start3A_3 : memref<100xi32, #tpu.memory_space<vmem>>) semaphore(%arg11 : memref<!tpu.dma_semaphore, #tpu.memory_space<semaphore_mem>>)
    %dma_start3A_7 = arith.constant 1 : i32
    %dma_start3A_8 = arith.constant 0 : i32
    %dma_start3A_9 = tpu.memref_slice %arg6[%dma_start3A_7, %dma_start3A_8] : memref<100x100xi32, #tpu.memory_space<vmem>> -> memref<1x100xi32, #tpu.memory_space<vmem>>
    %dma_start3A_10 = tpu.memref_squeeze %dma_start3A_9 : memref<1x100xi32, #tpu.memory_space<vmem>> -> memref<100xi32, #tpu.memory_space<vmem>>
    %dma_start3A_11 = arith.constant 0 : i32
    %dma_start3A_12 = arith.constant 0 : i32
    %dma_start3A_13 = tpu.memref_slice %arg2[%dma_start3A_11, %dma_start3A_12] : memref<10000x128xf32, #tpu.memory_space<hbm>> -> memref<10000x128xf32, #tpu.memory_space<hbm>>
    tpu.enqueue_indirect_dma source(%dma_start3A_13 : memref<10000x128xf32, #tpu.memory_space<hbm>>) target(%arg9 : memref<100x128xf32, #tpu.memory_space<vmem>>) offsets(%dma_start3A_10 : memref<100xi32, #tpu.memory_space<vmem>>) semaphore(%arg12 : memref<!tpu.dma_semaphore, #tpu.memory_space<semaphore_mem>>)
    %mul3A_14 = arith.constant 625 : i32
    %mul3A_15 = arith.muli %arg1, %mul3A_14 : i32
    %mul3A_16 = arith.constant 625 : i32
    %mul3A_17 = arith.muli %arg1, %mul3A_16 : i32
    "tpu.region"() ({
      %run_scoped3A = tpu.sem_alloc : memref<!tpu.dma_semaphore, #tpu.memory_space<semaphore_mem>>
      %dma_start3A_27 = arith.constant 0 : i32
      %dma_start3A_28 = tpu.memref_slice %arg10[%mul3A_17, %dma_start3A_27] : memref<10000x128xf32, #tpu.memory_space<vmem_shared>> -> memref<625x128xf32, #tpu.memory_space<vmem_shared>>
      %dma_start3A_29 = arith.constant 0 : i32
      %dma_start3A_30 = tpu.memref_slice %arg2[%mul3A_15, %dma_start3A_29] : memref<10000x128xf32, #tpu.memory_space<hbm>> -> memref<625x128xf32, #tpu.memory_space<hbm>>
      tpu.enqueue_dma source(%dma_start3A_30 : memref<625x128xf32, #tpu.memory_space<hbm>>) target(%dma_start3A_28 : memref<625x128xf32, #tpu.memory_space<vmem_shared>>) target_semaphore(%run_scoped3A : memref<!tpu.dma_semaphore, #tpu.memory_space<semaphore_mem>>)
      %dma_wait3A = arith.constant 0 : i32
      %dma_wait3A_31 = tpu.memref_slice %arg10[%mul3A_17, %dma_wait3A] : memref<10000x128xf32, #tpu.memory_space<vmem_shared>> -> memref<625x128xf32, #tpu.memory_space<vmem_shared>>
      %dma_wait3A_32 = arith.constant 0 : i32
      %dma_wait3A_33 = tpu.memref_slice %arg2[%mul3A_15, %dma_wait3A_32] : memref<10000x128xf32, #tpu.memory_space<hbm>> -> memref<625x128xf32, #tpu.memory_space<hbm>>
      tpu.wait_dma2 semaphore(%run_scoped3A : memref<!tpu.dma_semaphore, #tpu.memory_space<semaphore_mem>>) src(%dma_wait3A_33 : memref<625x128xf32, #tpu.memory_space<hbm>>) dst(%dma_wait3A_31 : memref<625x128xf32, #tpu.memory_space<vmem_shared>>)
      tpu.yield
    }) : () -> ()
    %barrier3A = arith.constant 0 : index
    tpu.barrier barrier_id(%barrier3A)
    %scan3A = arith.constant 0 : i32
    %scan3A_18 = arith.constant 0 : i32
    %scan3A_19 = arith.constant 50 : i32
    %scan3A_20 = arith.addi %scan3A_18, %scan3A_19 : i32
    %scan3A_21 = arith.constant 1 : i32
    %scan3A_22 = scf.for %scan3A_27 = %scan3A_18 to %scan3A_20 step %scan3A_21 iter_args(%scan3A_28 = %scan3A) -> (i32)  : i32 {
      %mul3A_29 = arith.constant 2 : i32
      %mul3A_30 = arith.muli %mul3A_29, %scan3A_27 : i32
      %add3A_31 = arith.constant 1 : i32
      %add3A_32 = arith.addi %mul3A_30, %add3A_31 : i32
      %dma_wait3A = arith.constant 0 : i32
      %dma_wait3A_33 = tpu.memref_slice %arg6[%mul3A_30, %dma_wait3A] : memref<100x100xi32, #tpu.memory_space<vmem>> -> memref<1x100xi32, #tpu.memory_space<vmem>>
      %dma_wait3A_34 = tpu.memref_squeeze %dma_wait3A_33 : memref<1x100xi32, #tpu.memory_space<vmem>> -> memref<100xi32, #tpu.memory_space<vmem>>
      %dma_wait3A_35 = arith.constant 0 : i32
      %dma_wait3A_36 = arith.constant 0 : i32
      %dma_wait3A_37 = tpu.memref_slice %arg2[%dma_wait3A_35, %dma_wait3A_36] : memref<10000x128xf32, #tpu.memory_space<hbm>> -> memref<10000x128xf32, #tpu.memory_space<hbm>>
      tpu.wait_indirect_dma semaphore(%arg11 : memref<!tpu.dma_semaphore, #tpu.memory_space<semaphore_mem>>) src(%dma_wait3A_37 : memref<10000x128xf32, #tpu.memory_space<hbm>>) dst(%arg8 : memref<100x128xf32, #tpu.memory_space<vmem>>)
      %add3A_38 = arith.constant 1 : i32
      %add3A_39 = arith.addi %add3A_32, %add3A_38 : i32
      %lt3A = arith.constant 100 : i32
      %lt3A_40 = arith.cmpi slt, %add3A_39, %lt3A : i32
      %convert_element_type3A = arith.extui %lt3A_40 : i1 to i32
      %cond3A = arith.constant 0 : i32
      %cond3A_41 = arith.cmpi ne, %convert_element_type3A, %cond3A : i32
      scf.if %cond3A_41 {
        %add3A_56 = arith.constant 1 : i32
        %add3A_57 = arith.addi %add3A_32, %add3A_56 : i32
        %dma_start3A_58 = arith.constant 0 : i32
        %dma_start3A_59 = tpu.memref_slice %arg6[%add3A_57, %dma_start3A_58] : memref<100x100xi32, #tpu.memory_space<vmem>> -> memref<1x100xi32, #tpu.memory_space<vmem>>
        %dma_start3A_60 = tpu.memref_squeeze %dma_start3A_59 : memref<1x100xi32, #tpu.memory_space<vmem>> -> memref<100xi32, #tpu.memory_space<vmem>>
        %dma_start3A_61 = arith.constant 0 : i32
        %dma_start3A_62 = arith.constant 0 : i32
        %dma_start3A_63 = tpu.memref_slice %arg2[%dma_start3A_61, %dma_start3A_62] : memref<10000x128xf32, #tpu.memory_space<hbm>> -> memref<10000x128xf32, #tpu.memory_space<hbm>>
        tpu.enqueue_indirect_dma source(%dma_start3A_63 : memref<10000x128xf32, #tpu.memory_space<hbm>>) target(%arg8 : memref<100x128xf32, #tpu.memory_space<vmem>>) offsets(%dma_start3A_60 : memref<100xi32, #tpu.memory_space<vmem>>) semaphore(%arg11 : memref<!tpu.dma_semaphore, #tpu.memory_space<semaphore_mem>>)
      } else {
      }
      %dma_wait3A_42 = arith.constant 0 : i32
      %dma_wait3A_43 = tpu.memref_slice %arg6[%add3A_32, %dma_wait3A_42] : memref<100x100xi32, #tpu.memory_space<vmem>> -> memref<1x100xi32, #tpu.memory_space<vmem>>
      %dma_wait3A_44 = tpu.memref_squeeze %dma_wait3A_43 : memref<1x100xi32, #tpu.memory_space<vmem>> -> memref<100xi32, #tpu.memory_space<vmem>>
      %dma_wait3A_45 = arith.constant 0 : i32
      %dma_wait3A_46 = arith.constant 0 : i32
      %dma_wait3A_47 = tpu.memref_slice %arg2[%dma_wait3A_45, %dma_wait3A_46] : memref<10000x128xf32, #tpu.memory_space<hbm>> -> memref<10000x128xf32, #tpu.memory_space<hbm>>
      tpu.wait_indirect_dma semaphore(%arg12 : memref<!tpu.dma_semaphore, #tpu.memory_space<semaphore_mem>>) src(%dma_wait3A_47 : memref<10000x128xf32, #tpu.memory_space<hbm>>) dst(%arg9 : memref<100x128xf32, #tpu.memory_space<vmem>>)
      %add3A_48 = arith.constant 2 : i32
      %add3A_49 = arith.addi %add3A_32, %add3A_48 : i32
      %lt3A_50 = arith.constant 100 : i32
      %lt3A_51 = arith.cmpi slt, %add3A_49, %lt3A_50 : i32
      %convert_element_type3A_52 = arith.extui %lt3A_51 : i1 to i32
      %cond3A_53 = arith.constant 0 : i32
      %cond3A_54 = arith.cmpi ne, %convert_element_type3A_52, %cond3A_53 : i32
      scf.if %cond3A_54 {
        %add3A_56 = arith.constant 2 : i32
        %add3A_57 = arith.addi %add3A_32, %add3A_56 : i32
        %dma_start3A_58 = arith.constant 0 : i32
        %dma_start3A_59 = tpu.memref_slice %arg6[%add3A_57, %dma_start3A_58] : memref<100x100xi32, #tpu.memory_space<vmem>> -> memref<1x100xi32, #tpu.memory_space<vmem>>
        %dma_start3A_60 = tpu.memref_squeeze %dma_start3A_59 : memref<1x100xi32, #tpu.memory_space<vmem>> -> memref<100xi32, #tpu.memory_space<vmem>>
        %dma_start3A_61 = arith.constant 0 : i32
        %dma_start3A_62 = arith.constant 0 : i32
        %dma_start3A_63 = tpu.memref_slice %arg2[%dma_start3A_61, %dma_start3A_62] : memref<10000x128xf32, #tpu.memory_space<hbm>> -> memref<10000x128xf32, #tpu.memory_space<hbm>>
        tpu.enqueue_indirect_dma source(%dma_start3A_63 : memref<10000x128xf32, #tpu.memory_space<hbm>>) target(%arg9 : memref<100x128xf32, #tpu.memory_space<vmem>>) offsets(%dma_start3A_60 : memref<100xi32, #tpu.memory_space<vmem>>) semaphore(%arg12 : memref<!tpu.dma_semaphore, #tpu.memory_space<semaphore_mem>>)
      } else {
      }
      %scan3A_55 = arith.constant 0 : i32
      scf.yield %scan3A_55 : i32
    }
    %scan3A_23 = arith.constant 50 : i32
    %barrier3A_24 = arith.constant 0 : index
    tpu.barrier barrier_id(%barrier3A_24)
    %mul3A_25 = arith.constant 625 : i32
    %mul3A_26 = arith.muli %arg1, %mul3A_25 : i32
    "tpu.region"() ({
      %run_scoped3A = tpu.sem_alloc : memref<!tpu.dma_semaphore, #tpu.memory_space<semaphore_mem>>
      %dma_start3A_27 = arith.constant 0 : i32
      %dma_start3A_28 = arith.constant 0 : i32
      %dma_start3A_29 = tpu.memref_slice %arg5[%arg0, %arg1, %dma_start3A_27, %dma_start3A_28] : memref<2x16x625x128xf32, #tpu.memory_space<hbm>> -> memref<1x1x625x128xf32, #tpu.memory_space<hbm>>
      %dma_start3A_30 = tpu.memref_squeeze %dma_start3A_29 : memref<1x1x625x128xf32, #tpu.memory_space<hbm>> -> memref<625x128xf32, #tpu.memory_space<hbm>>
      %dma_start3A_31 = arith.constant 0 : i32
      %dma_start3A_32 = tpu.memref_slice %arg10[%mul3A_26, %dma_start3A_31] : memref<10000x128xf32, #tpu.memory_space<vmem_shared>> -> memref<625x128xf32, #tpu.memory_space<vmem_shared>>
      tpu.enqueue_dma source(%dma_start3A_32 : memref<625x128xf32, #tpu.memory_space<vmem_shared>>) target(%dma_start3A_30 : memref<625x128xf32, #tpu.memory_space<hbm>>) target_semaphore(%run_scoped3A : memref<!tpu.dma_semaphore, #tpu.memory_space<semaphore_mem>>)
      %dma_wait3A = arith.constant 0 : i32
      %dma_wait3A_33 = arith.constant 0 : i32
      %dma_wait3A_34 = tpu.memref_slice %arg5[%arg0, %arg1, %dma_wait3A, %dma_wait3A_33] : memref<2x16x625x128xf32, #tpu.memory_space<hbm>> -> memref<1x1x625x128xf32, #tpu.memory_space<hbm>>
      %dma_wait3A_35 = tpu.memref_squeeze %dma_wait3A_34 : memref<1x1x625x128xf32, #tpu.memory_space<hbm>> -> memref<625x128xf32, #tpu.memory_space<hbm>>
      %dma_wait3A_36 = arith.constant 0 : i32
      %dma_wait3A_37 = tpu.memref_slice %arg10[%mul3A_26, %dma_wait3A_36] : memref<10000x128xf32, #tpu.memory_space<vmem_shared>> -> memref<625x128xf32, #tpu.memory_space<vmem_shared>>
      tpu.wait_dma2 semaphore(%run_scoped3A : memref<!tpu.dma_semaphore, #tpu.memory_space<semaphore_mem>>) src(%dma_wait3A_37 : memref<625x128xf32, #tpu.memory_space<vmem_shared>>) dst(%dma_wait3A_35 : memref<625x128xf32, #tpu.memory_space<hbm>>)
      tpu.yield
    }) : () -> ()
    return
  }
}

module attributes {stable_mosaic.version = 14 : i64} {
  func.func @_mid_body(%arg0: i32, %arg1: memref<1000x128xf32, #tpu.memory_space<vmem>>, %arg2: memref<128x128xf32, #tpu.memory_space<vmem>>, %arg3: memref<1000x32xf32, #tpu.memory_space<vmem>>, %arg4: memref<1000x128xf32, #tpu.memory_space<vmem>>, %arg5: memref<1000x1xf32, #tpu.memory_space<vmem>>) attributes {dimension_semantics = [#tpu.dimension_semantics<arbitrary>], iteration_bounds = array<i64: 10>, scalar_prefetch = 0 : i64, scratch_operands = 0 : i64, tpu.core_type = #tpu.core_type<tc>, window_params = [{transform_indices = @transform_0, window_bounds = array<i64: 1000, 128>}, {pipeline_mode = #tpu.pipeline_mode<synchronous>, transform_indices = @transform_1, window_bounds = array<i64: 128, 128>}, {transform_indices = @transform_2, window_bounds = array<i64: 1000, 32>}, {transform_indices = @transform_3, window_bounds = array<i64: 1000, 128>}, {transform_indices = @transform_4, window_bounds = array<i64: 1000, 1>}]} {
    %get3A = arith.constant 0 : index
    %get3A_0 = arith.constant 0 : index
    %get3A_1 = vector.load %arg3[%get3A, %get3A_0] : memref<1000x32xf32, #tpu.memory_space<vmem>>, vector<1000x32xf32>
    %reduce_sum3A = arith.constant dense<0.000000e+00> : vector<1000xf32>
    %reduce_sum3A_2 = vector.multi_reduction <add>, %get3A_1, %reduce_sum3A [1] : vector<1000x32xf32> to vector<1000xf32>
    %add3A = arith.constant 1.000000e+00 : f32
    %add3A_3 = vector.broadcast %add3A : f32 to vector<1000xf32>
    %add3A_4 = arith.addf %reduce_sum3A_2, %add3A_3 : vector<1000xf32>
    %rsqrt3A = math.rsqrt %add3A_4 : vector<1000xf32>
    %get3A_5 = arith.constant 0 : index
    %get3A_6 = arith.constant 0 : index
    %get3A_7 = vector.load %arg1[%get3A_5, %get3A_6] : memref<1000x128xf32, #tpu.memory_space<vmem>>, vector<1000x128xf32>
    %get3A_8 = arith.constant 0 : index
    %get3A_9 = arith.constant 0 : index
    %get3A_10 = vector.load %arg2[%get3A_8, %get3A_9] : memref<128x128xf32, #tpu.memory_space<vmem>>, vector<128x128xf32>
    %dot_general3A = arith.constant dense<0.000000e+00> : vector<1000x128xf32>
    %dot_general3A_11 = tpu.matmul %get3A_7, %get3A_10, %dot_general3A {dimension_numbers = #tpu.dot_dimension_numbers<[1], [0], [0], [1], [0, 0, 1, 1], [], []>, transpose_lhs_hint = false} : vector<1000x128xf32>, vector<128x128xf32>, vector<1000x128xf32> -> vector<1000x128xf32>
    %broadcast_in_dim3A = vector.shape_cast %rsqrt3A : vector<1000xf32> to vector<1000x1xf32>
    %mul3A = vector.broadcast %broadcast_in_dim3A : vector<1000x1xf32> to vector<1000x128xf32>
    %mul3A_12 = arith.mulf %dot_general3A_11, %mul3A : vector<1000x128xf32>
    %swap3A = arith.constant 0 : index
    %swap3A_13 = arith.constant 0 : index
    %swap3A_14 = vector.load %arg4[%swap3A, %swap3A_13] : memref<1000x128xf32, #tpu.memory_space<vmem>>, vector<1000x128xf32>
    tpu.vector_store %arg4[%swap3A, %swap3A_13], %mul3A_12 {strides = array<i32>} : memref<1000x128xf32, #tpu.memory_space<vmem>>, vector<1000x128xf32>,
    %broadcast_in_dim3A_15 = vector.shape_cast %rsqrt3A : vector<1000xf32> to vector<1000x1xf32>
    %swap3A_16 = arith.constant 0 : index
    %swap3A_17 = arith.constant 0 : index
    %swap3A_18 = vector.load %arg5[%swap3A_16, %swap3A_17] : memref<1000x1xf32, #tpu.memory_space<vmem>>, vector<1000x1xf32>
    tpu.vector_store %arg5[%swap3A_16, %swap3A_17], %broadcast_in_dim3A_15 {strides = array<i32>} : memref<1000x1xf32, #tpu.memory_space<vmem>>, vector<1000x1xf32>,
    return
  }
  func.func @transform_0(%arg0: i32) -> (i32, i32) {
    %c0_i32 = arith.constant 0 : i32
    %c0_i32_0 = arith.constant 0 : i32
    return %arg0, %c0_i32 : i32, i32
  }
  func.func @transform_1(%arg0: i32) -> (i32, i32) {
    %c0_i32 = arith.constant 0 : i32
    %c0_i32_0 = arith.constant 0 : i32
    %c0_i32_1 = arith.constant 0 : i32
    return %c0_i32, %c0_i32_0 : i32, i32
  }
  func.func @transform_2(%arg0: i32) -> (i32, i32) {
    %c0_i32 = arith.constant 0 : i32
    %c0_i32_0 = arith.constant 0 : i32
    return %arg0, %c0_i32 : i32, i32
  }
  func.func @transform_3(%arg0: i32) -> (i32, i32) {
    %c0_i32 = arith.constant 0 : i32
    %c0_i32_0 = arith.constant 0 : i32
    return %arg0, %c0_i32 : i32, i32
  }
  func.func @transform_4(%arg0: i32) -> (i32, i32) {
    %c0_i32 = arith.constant 0 : i32
    %c0_i32_0 = arith.constant 0 : i32
    return %arg0, %c0_i32 : i32, i32
  }
}

module attributes {stable_mosaic.version = 14 : i64} {
  func.func @_fin_body(%arg0: i32, %arg1: memref<2x1000x128xf32, #tpu.memory_space<vmem>>, %arg2: memref<1000x128xf32, #tpu.memory_space<vmem>>, %arg3: memref<1000x1xf32, #tpu.memory_space<vmem>>, %arg4: memref<1x128xf32, #tpu.memory_space<vmem>>, %arg5: memref<1000x128xf32, #tpu.memory_space<vmem>>) attributes {dimension_semantics = [#tpu.dimension_semantics<arbitrary>], iteration_bounds = array<i64: 10>, scalar_prefetch = 0 : i64, scratch_operands = 0 : i64, tpu.core_type = #tpu.core_type<tc>, window_params = [{transform_indices = @transform_0, window_bounds = array<i64: 2, 1000, 128>}, {transform_indices = @transform_1, window_bounds = array<i64: 1000, 128>}, {transform_indices = @transform_2, window_bounds = array<i64: 1000, 1>}, {pipeline_mode = #tpu.pipeline_mode<synchronous>, transform_indices = @transform_3, window_bounds = array<i64: 1, 128>}, {transform_indices = @transform_4, window_bounds = array<i64: 1000, 128>}]} {
    %get3A = arith.constant 0 : index
    %get3A_0 = arith.constant 0 : index
    %get3A_1 = arith.constant 0 : index
    %get3A_2 = vector.load %arg1[%get3A, %get3A_0, %get3A_1] : memref<2x1000x128xf32, #tpu.memory_space<vmem>>, vector<1x1000x128xf32>
    %get3A_3 = vector.shape_cast %get3A_2 : vector<1x1000x128xf32> to vector<1000x128xf32>
    %get3A_4 = arith.constant 1 : index
    %get3A_5 = arith.constant 0 : index
    %get3A_6 = arith.constant 0 : index
    %get3A_7 = vector.load %arg1[%get3A_4, %get3A_5, %get3A_6] : memref<2x1000x128xf32, #tpu.memory_space<vmem>>, vector<1x1000x128xf32>
    %get3A_8 = vector.shape_cast %get3A_7 : vector<1x1000x128xf32> to vector<1000x128xf32>
    %add3A = arith.addf %get3A_3, %get3A_8 : vector<1000x128xf32>
    %get3A_9 = arith.constant 0 : index
    %get3A_10 = arith.constant 0 : index
    %get3A_11 = vector.load %arg2[%get3A_9, %get3A_10] : memref<1000x128xf32, #tpu.memory_space<vmem>>, vector<1000x128xf32>
    %sub3A = arith.subf %add3A, %get3A_11 : vector<1000x128xf32>
    %get3A_12 = arith.constant 0 : index
    %get3A_13 = arith.constant 0 : index
    %get3A_14 = vector.load %arg3[%get3A_12, %get3A_13] : memref<1000x1xf32, #tpu.memory_space<vmem>>, vector<1000x1xf32>
    %mul3A = vector.broadcast %get3A_14 : vector<1000x1xf32> to vector<1000x128xf32>
    %mul3A_15 = arith.mulf %mul3A, %sub3A : vector<1000x128xf32>
    %get3A_16 = arith.constant 0 : index
    %get3A_17 = arith.constant 0 : index
    %get3A_18 = vector.load %arg4[%get3A_16, %get3A_17] : memref<1x128xf32, #tpu.memory_space<vmem>>, vector<1x128xf32>
    %add3A_19 = vector.broadcast %get3A_18 : vector<1x128xf32> to vector<1000x128xf32>
    %add3A_20 = arith.addf %mul3A_15, %add3A_19 : vector<1000x128xf32>
    %swap3A = arith.constant 0 : index
    %swap3A_21 = arith.constant 0 : index
    %swap3A_22 = vector.load %arg5[%swap3A, %swap3A_21] : memref<1000x128xf32, #tpu.memory_space<vmem>>, vector<1000x128xf32>
    tpu.vector_store %arg5[%swap3A, %swap3A_21], %add3A_20 {strides = array<i32>} : memref<1000x128xf32, #tpu.memory_space<vmem>>, vector<1000x128xf32>,
    return
  }
  func.func @transform_0(%arg0: i32) -> (i32, i32, i32) {
    %c0_i32 = arith.constant 0 : i32
    %c0_i32_0 = arith.constant 0 : i32
    %c0_i32_1 = arith.constant 0 : i32
    return %c0_i32, %arg0, %c0_i32_0 : i32, i32, i32
  }
  func.func @transform_1(%arg0: i32) -> (i32, i32) {
    %c0_i32 = arith.constant 0 : i32
    %c0_i32_0 = arith.constant 0 : i32
    return %arg0, %c0_i32 : i32, i32
  }
  func.func @transform_2(%arg0: i32) -> (i32, i32) {
    %c0_i32 = arith.constant 0 : i32
    %c0_i32_0 = arith.constant 0 : i32
    return %arg0, %c0_i32 : i32, i32
  }
  func.func @transform_3(%arg0: i32) -> (i32, i32) {
    %c0_i32 = arith.constant 0 : i32
    %c0_i32_0 = arith.constant 0 : i32
    %c0_i32_1 = arith.constant 0 : i32
    return %c0_i32, %c0_i32_0 : i32, i32
  }
  func.func @transform_4(%arg0: i32) -> (i32, i32) {
    %c0_i32 = arith.constant 0 : i32
    %c0_i32_0 = arith.constant 0 : i32
    return %arg0, %c0_i32 : i32, i32
  }
}

</mosaic_0001>

<sc_bundles>
// kernel: kernel.6.cloned.1.call-start
scs
__scs_entry_jumppad:
0x0: {  	(pc) =	sbr.rel $0x88, $3  }
0x1: {  	(tag) =	ssettag $0x0;
	lr =	simm.s32 $0x1  }
0x2: {  	[smem:$0x3F9D] =	sst lr;
	_ =	strace $0xD0000000  }
0x3: {  	_ = 	snop  }
0x4: {  	_ = 	snop  }
0x5: {  	_ = 	snop  }
0x6: {  	_ = 	snop  }
0x7: {  	_ = 	snop  }
__scs_overlays_trampoline_lowered:
0x8: {  	[smem:$0x3FAC] =	sst s0  }
0x9: {  	[smem:$0x3FAD] =	sst s1  }
0xa: {  	[smem:$0x3FAE] =	sst s2  }
0xb: {  	[smem:$0x3FAF] =	sst s3  }
0xc: {  	[smem:$0x3FB0] =	sst s4  }
0xd: {  	[smem:$0x3FB1] =	sst s5  }
0xe: {  	[smem:$0x3FB2] =	sst s6  }
0xf: {  	[smem:$0x3FB3] =	sst s7  }
0x10: {  	[smem:$0x3FB4] =	sst s8  }
0x11: {  	[smem:$0x3FB5] =	sst s9;
	s0 =	simm.s32 @!p0 $0x0  }
0x12: {  	s1 =	sld [smem:$0x3F9B];
	s0 =	simm.s32 @p0 $0x1  }
0x13: {  	[smem:$0x3FB6] =	sst s0;
	s0 =	simm.s32 @!p1 $0x0  }
0x14: {  	s2 =	sld [smem:$0x3F9A];
	s0 =	simm.s32 @p1 $0x1  }
0x15: {  	[smem:$0x3FB7] =	sst s0;
	s0 =	simm.s32 @!p2 $0x0  }
0x16: {  	s3 =	sld [smem:$0x3FDB];
	s0 =	simm.s32 @p2 $0x1  }
0x17: {  	s4 =	simm.s32 $0x1BF5;
	[smem:$0x3FB9] =	sst s0  }
0x18: {  	s0 =	sld [smem:$0x3F9C];
	_ =	swait.ge [sflag:s4], $0x0  }
0x19: {  	s7 =	sld [smem:$0x3F9D]  }
0x1a: {  	s8 =	sadd.s32 $0xFFFFE003, lr  }
0x1b: {  	s9 =	sadd.s32 $0xFFFFFEF7, lr;
	s5 =	simm.s32 $0xFFFFFFFF;
	p2 =	slt.u32 s8, $0xFFFFF086  }
0x1c: {  	p1 =	slt.u32 s9, $0xF7A;
	s5 =	simm.s32 @!p2 $0x0  }
0x1d: {  	s5 =	simm.s32 @p1 $0x1;
	p0 =	seq.s32 s7, s2  }
0x1e: {  	s7 =	smul.u32 @!p0 $0xF7A, s2;
	p2 =	seq.s32 @!p0 s5, $0x0  }
0x1f: {  	s9 =	smul.u32 $0xF7A, s1;
	s8 =	simm.s32 @!p0 $0x1BF5;
	p2 =	por !p2, p0  }
0x20: {  	[sflag:s8] =	ssyncset.s32 @!p0 $0xFFFFF086;
	s6 =	sadd.s32 @!p0 s3, s7;
	s7 =	simm.s32 @!p0 $0x108  }
0x21: {  	s3 =	sadd.s32 s3, s9;
	s6 =	sadd.s32 @!p0 $0x88, s6;
	s7 =	simm.s32 @p2 $0x1082  }
0x22: {  	[simem:s7], [sflag:s8] =	dma.local @!p0 [hbm:s6], $0xF7A  }
0x23: {  	s9 =	sor.u32 $0xD0000000, s2;
	s6 =	simm.s32 $0x108;
	_ =	swait.ge @!p0 [sflag:s8], $0x0  }
0x24: {  	s3 =	sadd.s32 $0x88, s3;
	s6 =	simm.s32 @!p1 $0x1082;
	[sflag:s4] =	ssyncset.s32 $0xFFFFF086  }
0x25: {  	[simem:s6], [sflag:s4] =	dma.local [hbm:s3], $0xF7A  }
0x26: {  	[smem:$0x3F9D] =	sst s1;
	(tag) =	ssettag s2;
	_ =	strace s9  }
0x27: {  	s1 =	sld [smem:$0x3FAD]  }
0x28: {  	s2 =	sld [smem:$0x3FAE]  }
0x29: {  	s4 =	sld [smem:$0x3FB0]  }
0x2a: {  	p0 =	seq.s32 s5, $0x0;
	s5 =	sld [smem:$0x3FB1]  }
0x2b: {  	s6 =	sld [smem:$0x3FB2]  }
0x2c: {  	s7 =	sld [smem:$0x3FB3]  }
0x2d: {  	s3 =	simm.s32 $0x108;
	s8 =	sld [smem:$0x3FB4]  }
0x2e: {  	s3 =	simm.s32 @!p0 $0x1082;
	s9 =	sld [smem:$0x3FB5]  }
0x2f: {  	lr =	sadd.s32 s0, s3;
	s0 =	sld [smem:$0x3FAC]  }
0x30: {  	s3 =	sld [smem:$0x3FAF]  }
0x31: {  	[smem:$0x3FB8] =	sst s10  }
0x32: {  	s10 =	sld [smem:$0x3FB6];
	_ =	sdelay $0x3  }
0x33: {  	p0 =	seq.s32 s10, $0x1;
	s10 =	sld [smem:$0x3FB8];
	_ =	sdelay $0x3  }
0x34: {  	[smem:$0x3FB8] =	sst s10  }
0x35: {  	s10 =	sld [smem:$0x3FB7];
	_ =	sdelay $0x3  }
0x36: {  	p1 =	seq.s32 s10, $0x1;
	s10 =	sld [smem:$0x3FB8];
	_ =	sdelay $0x3  }
0x37: {  	[smem:$0x3FB8] =	sst s10  }
0x38: {  	s10 =	sld [smem:$0x3FB9]  }
0x39: {  	_ = 	snop;
	(pc) =	sbr.ind lr, $3  }
0x3a: {  	_ = 	snop  }
0x3b: {  	_ = 	snop  }
0x3c: {  	p2 =	seq.s32 s10, $0x1;
	s10 =	sld [smem:$0x3FB8]  }
0x3d: {  	_ =	shalt  }
0x3e: {  	_ =	shalt  }
0x3f: {  	_ =	shalt  }
0x40: {  	_ =	shalt  }
0x41: {  	_ =	shalt  }
0x42: {  	_ =	shalt  }
0x43: {  	_ =	shalt  }
0x44: {  	_ =	shalt  }
0x45: {  	_ =	shalt  }
0x46: {  	_ =	shalt  }
0x47: {  	_ =	shalt  }
0x48: {  	_ =	shalt  }
0x49: {  	_ =	shalt  }
0x4a: {  	_ =	shalt  }
0x4b: {  	_ =	shalt  }
0x4c: {  	_ =	shalt  }
0x4d: {  	_ =	shalt  }
0x4e: {  	_ =	shalt  }
0x4f: {  	_ =	shalt  }
0x50: {  	_ =	shalt  }
0x51: {  	_ =	shalt  }
0x52: {  	_ =	shalt  }
0x53: {  	_ =	shalt  }
0x54: {  	_ =	shalt  }
0x55: {  	_ =	shalt  }
0x56: {  	_ =	shalt  }
0x57: {  	_ =	shalt  }
0x58: {  	_ =	shalt  }
0x59: {  	_ =	shalt  }
0x5a: {  	_ =	shalt  }
0x5b: {  	_ =	shalt  }
0x5c: {  	_ =	shalt  }
0x5d: {  	_ =	shalt  }
0x5e: {  	_ =	shalt  }
0x5f: {  	_ =	shalt  }
0x60: {  	_ =	shalt  }
0x61: {  	_ =	shalt  }
0x62: {  	_ =	shalt  }
0x63: {  	_ =	shalt  }
0x64: {  	_ =	shalt  }
0x65: {  	_ =	shalt  }
0x66: {  	_ =	shalt  }
0x67: {  	_ =	shalt  }
0x68: {  	_ =	shalt  }
0x69: {  	_ =	shalt  }
0x6a: {  	_ =	shalt  }
0x6b: {  	_ =	shalt  }
0x6c: {  	_ =	shalt  }
0x6d: {  	_ =	shalt  }
0x6e: {  	_ =	shalt  }
0x6f: {  	_ =	shalt  }
0x70: {  	_ =	shalt  }
0x71: {  	_ =	shalt  }
0x72: {  	_ =	shalt  }
0x73: {  	_ =	shalt  }
0x74: {  	_ =	shalt  }
0x75: {  	_ =	shalt  }
0x76: {  	_ =	shalt  }
0x77: {  	_ =	shalt  }
0x78: {  	_ =	shalt  }
0x79: {  	_ =	shalt  }
0x7a: {  	_ =	shalt  }
0x7b: {  	_ =	shalt  }
0x7c: {  	_ =	shalt  }
0x7d: {  	_ =	shalt  }
0x7e: {  	_ =	shalt  }
0x7f: {  	_ =	shalt  }
0x80: {  	_ =	shalt  }
0x81: {  	_ =	shalt  }
0x82: {  	_ =	shalt  }
0x83: {  	_ =	shalt  }
0x84: {  	_ =	shalt  }
0x85: {  	_ =	shalt  }
0x86: {  	_ =	shalt  }
0x87: {  	_ =	shalt  }
.Lfunc_end0:
.L_simem_size_0:
called_computation_lowered:
.L_overlay_start_0:
0x88: {  	s2 =	sld [smem:$0x3FD9]  }
0x89: {  	s3 =	sld [smem:$0x3FFE];
	_ =	sdelay $0x1  }
0x8a: {  	s1 =	srdreg.scid  }
0x8b: {  	s0 =	sand.u32 $0x1, s1  }
0x8c: {  	s17 =	sshll.u32 s0, $0xA;
	s2 =	sadd.s32 s3, s2  }
0x8d: {  	s2 =	sadd.s32 s2, s17  }
0x8e: {  	[smem:$0x3FC4] =	sst s2  }
0x8f: {  	_ = 	snop  }
0x90: {  	s2 =	sld [smem:$0x3FD0];
	(tm) =	ssettm $0x1  }
0x91: {  	s18 =	sld [smem:$0x3FFB];
	_ =	sdelay $0x3  }
0x92: {  	_ =	strace s18  }
0x93: {  	s3 =	sld [smem:$0x3FFC];
	_ =	sdelay $0x3  }
0x94: {  	_ =	strace s3  }
0x95: {  	s3 =	sld [smem:$0x3FFD];
	_ =	sdelay $0x3  }
0x96: {  	_ =	strace s3  }
0x97: {  	_ =	strace $0x8FFFFFFF  }
0x98: {  	s19 =	sld [smem:$0x3FDB];
	_ =	sdelay $0x1  }
0x99: {  	s4 =	simm.s32 $_scs_section_size  }
0x9a: {  	s5 =	simm.s32 $_size__tile_overlayer_lowered;
	s6 =	simm.s32 $_tile_overlayer_lowered  }
0x9b: {  	s22 =	simm.s32 $0x1BFF;
	s21 =	sshll.u32 s6, $0x1;
	s3 =	sadd.s32 s4, s19  }
0x9c: {  	s7 =	simm.s32 $0x0;
	s20 =	sshll.u32 s5, $0x1;
	s5 =	sadd.s32 s21, s3  }
0x9d: {  	[timem:s7], [sflag:s22] =	dma.local [hbm:s5], s20  }
0x9e: {  	_ =	swait.ge [sflag:s22], s20  }
0x9f: {  	s4 =	ssub.s32 $0x0, s20;
	[sflag:s22] =	ssyncset.done $0x0  }
0xa0: {  	[sflag:s22] =	ssyncadd.s32 s4;
	_ =	sdelay $0x1  }
0xa1: {  	s23 =	simm.s32 $0x1B8B  }
0xa2: {  	_ =	swait.ge [sflag:s23], $0x1  }
0xa3: {  	[sflag:s23] =	ssyncset.done $0x0  }
0xa4: {  	s25 =	simm.s32 $0x1B8E;
	s24 =	sld [smem:$0x3FFE];
	[sflag:s23] =	ssyncadd.s32 $0xFFFFFFFF  }
0xa5: {  	s26 =	simm.s32 $execute0_lowered;
	[smem:$0x3FD2] =	sst s25  }
0xa6: {  	s5 =	sshll.u32 s26, $0x1;
	_ =	strace $0x80000046;
	[dreg:$0x1] =	wrdreg $0xFFFFFFFF  }
0xa7: {  	s28 =	simm.s32 $_size_execute0_lowered;
	s3 =	sadd.s32 s3, s5;
	[dreg:$0x0] =	wrdreg $0x0  }
0xa8: {  	s5 =	sshll.u32 s28, $0x1;
	[dreg:$0x2] =	wrdreg s3  }
0xa9: {  	[dreg:$0x3] =	wrdreg s5  }
0xaa: {  	[dreg:$0x4] =	wrdreg $0xC0  }
0xab: {  	_ =	task [dreg:s7], $0x5FFFF  }
0xac: {  	[dreg:$0x1] =	wrdreg $0xFFFFFFFF  }
0xad: {  	[dreg:$0x0] =	wrdreg $0x60  }
0xae: {  	[dreg:$0x2] =	wrdreg s2  }
0xaf: {  	[dreg:$0x3] =	wrdreg s24  }
0xb0: {  	[dreg:$0x4] =	wrdreg $0x9  }
0xb1: {  	_ =	task.clear_ibuf [dreg:s7], $0x5FFFF;
	_ =	strace $0x90000046  }
0xb2: {  	s29 =	simm.s32 $0x9;
	_ =	strace $0x80000048  }
0xb3: {  	_ =	swait.ge [sflag:s29], $0x1  }
0xb4: {  	[sflag:s29] =	ssyncadd.s32 $0xFFFFFFFF  }
0xb5: {  	_ =	strace $0x90000048  }
0xb6: {  	_ =	sfence  }
0xb7: {  	s30 =	sld [smem:$0x0];
	_ =	sdelay $0x2  }
0xb8: {  	s31 =	sshll.u32 s1, $0xD;
	s1 =	sshrl.u32 s1, $0x2  }
0xb9: {  	s3 =	sand.u32 $0x4000, s31;
	s1 =	sadd.s32 s1, s30  }
0xba: {  	s0 =	sor.u32 s3, s0;
	s1 =	sshll.u32 s1, $0x11  }
0xbb: {  	s0 =	sor.u32 s1, s0  }
0xbc: {  	s0 =	sadd.s32 $0x8F2B, s0  }
0xbd: {  	[sflag:s0] =	ssyncadd.remote.s32 $0x1  }
0xbe: {  	_ =	sfence.sel $0xFFFF  }
0xbf: {  	[dreg:$0x0] =	wrdreg $0xFFFFFFFF;
	(pc) =	sbr.abs _section_cstart, $3  }
0xc0: {  	[dreg:$0x1] =	wrdreg $0xFFFFFFFF  }
0xc1: {  	_ =	task.clear_ibuf [dreg:s7], $0x2FFFF;
	_ =	strace $0x9FFFFFFF  }
0xc2: {  	(tm) =	ssettm $0x7FFFFFFF  }
0xc3: {  	_ =	shalt  }
tec
execute0_lowered:
.L_overlay_start_1:
0x0: {  	(tag) =	ssettag $0x1  }
0x1: {  	s0 =	srdreg.scid  }
0x2: {  	s3 =	sand.u32 $0x1, s0  }
0x3: {  	s4 =	rddreg [dreg:$0x0];
	s0 =	stileid.u32;
	s1 =	sshll.u32 s3, $0x4  }
0x4: {  	s6 =	rddreg [dreg:$0x1];
	s2 =	simm.s32 $0x0;
	s1 =	sor.u32 s0, s1  }
0x5: {  	s8 =	simm.s32 $0x1;
	s9 =	simm.s32 $0x2780;
	s1 =	sshrl.u32 s1, $0x3  }
0x6: {  	s10 =	simm.s32 $0x0;
	s30 =	sshll.u32 s0, $0x7;
	s5 =	smul.u32 $0x13C00, s1  }
0x7: {  	[smem:$0x7FF] =	sst s2;
	s3 =	ssub.s32 $0x2, s3;
	s7 =	sand.u32 $0x380, s30  }
0x8: {  	s31 =	sshrl.u32 s3, $0x1;
	s1 =	rddreg [dreg:$0x2];
	s5 =	sor.u32 s7, s5  }
0x9: {  	_ =	strace $0x80000047;
	s7 =	ssub.s32 s3, s31;
	s5 =	sshrl.u32 s5, $0x3  }
0xa: {  	s6 =	sadd.s32 s5, s6;
	s3 =	sadd.s32 s4, s5;
	s5 =	smax.u32 s7, $0x1  }
0xb: {  	v0 =	vimm.f32 $0.0e+00;
	v1 =	vimm.f32 $1.000000000e+00;
	s7 =	simm.s32 $0x400;
	s4 =	sadd.s32 $0x1A00, s6;
	s6 =	simm.s32 $0x80  }
.LBB2_1:
0xc: {  	[tilespmem:s2], [sflag:$0x1] =	stream.strided.gather [hbm4b:s3+s6], $0x2780, s7, s6, $0x38;
	[tilespmem:$0x4F00] =	vst v63  }
0xd: {  	_ =	swait.ge [sflag:s8], $0x2780  }
0xe: {  	[sflag:s8] =	ssyncset.done $0x0  }
0xf: {  	s11 =	simm.s32 $0x0;
	[sflag:s8] =	ssyncadd.s32 $0xFFFFD880  }
.LBB2_2:
0x10: {  	p0 =	sne.s32 s11, $0x9C00  }
.Ltmp0:
0x11: {  	_ = 	snop;
	(pc) =	sbr.rel @p0 .LBB2_2-.Ltmp0, $3  }
0x12: {  	_ =	sdelay $0x1  }
0x13: {  	s12 =	sshra.s32 s11, $0x2  }
0x14: {  	s11 =	sadd.s32 $0x40, s11;
	[tilespmem:s12+$0x2780] =	vst v0  }
0x15: {  	s12 =	simm.s32 $0x0;
	s11 =	simm.s32 $0x40  }
.LBB2_4:
0x16: {  	p0 =	sne.s32 s11, $0x9C00;
	v2 =	vld [tilespmem:s12+$0x0];
	_ =	sdelay $0x3  }
.Ltmp1:
0x17: {  	(pc) =	sbr.rel @p0 .LBB2_4-.Ltmp1, $2  }
0x18: {  	_ =	sdelay $0x2  }
0x19: {  	s12 =	sshra.s32 s11, $0x2;
	s11 =	sadd.s32 $0x40, s11;
	[tilespmem:v2+s9+$0x0] =	vst.idx.add.f32.msk $0xffff, v1  }
0x1a: {  	v2 =	vld [tilespmem:s12+$0x0];
	_ =	sdelay $0x5  }
0x1b: {  	s10 =	sadd.s32 $0x1, s10  }
0x1c: {  	p0 =	sne.s32 s10, s5  }
.Ltmp2:
0x1d: {  	[tilespmem:v2+s9+$0x0] =	vst.idx.add.f32.msk $0xffff, v1;
	(pc) =	sbr.rel @p0 .LBB2_1-.Ltmp2, $4  }
0x1e: {  	[hbm4b:s4+s6] =	stream.strided.scatter [tilespmem:s9], [sflag:$0x1], $0x2780, s7, s6, $0x38;
	[tilespmem:$0x4F00] =	vst v63  }
0x1f: {  	_ =	swait.ge [sflag:s8], $0x2780  }
0x20: {  	[sflag:s8] =	ssyncset.done $0x0  }
0x21: {  	[sflag:s8] =	ssyncadd.s32 $0xFFFFD880  }
0x22: {  	_ =	sfence.sel $0x180000  }
0x23: {  	[bflag:$0x0] =	sbarrier.arrive $0xFFFF  }
0x24: {  	p0 =	sne.s32 s0, $0x0;
	_ =	strace $0x90000047  }
0x25: {  	s0 =	sadd.s32 @!p0 $0x100000, s1;
	[bflag:$0x2] =	sbarrier.arrive $0xFFFF  }
0x26: {  	[sflag:s0] =	ssyncadd.tile.s32 @!p0 $0x1;
	_ =	shalt  }
.Lfunc_end2:
_tile_overlayer_lowered:
.L_overlay_start_2:
0x27: {  	(tag) =	ssettag $0x2  }
0x28: {  	s0 =	rddreg [dreg:$0x0];
	s2 =	stileid.u32  }
0x29: {  	s1 =	rddreg [dreg:$0x1];
	p0 =	sne.s32 s2, $0x0  }
0x2a: {  	s3 =	rddreg [dreg:$0x2];
	[bflag:$0x3] =	sbarrier.arrive $0xFFFF;
	s2 =	simm.s32 @!p0 $0x1C01  }
0x2b: {  	[timem:s3], [sflag:s2] =	dma.local @!p0 [hbm:s0], s1  }
0x2c: {  	s0 =	simm.s32 @!p0 $0x1  }
0x2d: {  	_ =	swait.ge @!p0 [sflag:s0], s1  }
0x2e: {  	s1 =	ssub.s32 @!p0 $0x0, s1;
	[sflag:s0] =	ssyncset.done @!p0 $0x0  }
0x2f: {  	[sflag:s0] =	ssyncadd.s32 @!p0 s1  }
0x30: {  	[bflag:$0x3] =	sbarrier.arrive $0xFFFF  }
0x31: {  	_ =	shalt  }

// kernel: kernel.9.cloned.1.call-start
scs
__scs_entry_jumppad:
0x0: {  	(pc) =	sbr.rel $0x88, $3  }
0x1: {  	(tag) =	ssettag $0x0;
	lr =	simm.s32 $0x1  }
0x2: {  	[smem:$0x3F9D] =	sst lr;
	_ =	strace $0xD0000000  }
0x3: {  	_ = 	snop  }
0x4: {  	_ = 	snop  }
0x5: {  	_ = 	snop  }
0x6: {  	_ = 	snop  }
0x7: {  	_ = 	snop  }
__scs_overlays_trampoline_lowered:
0x8: {  	[smem:$0x3FAC] =	sst s0  }
0x9: {  	[smem:$0x3FAD] =	sst s1  }
0xa: {  	[smem:$0x3FAE] =	sst s2  }
0xb: {  	[smem:$0x3FAF] =	sst s3  }
0xc: {  	[smem:$0x3FB0] =	sst s4  }
0xd: {  	[smem:$0x3FB1] =	sst s5  }
0xe: {  	[smem:$0x3FB2] =	sst s6  }
0xf: {  	[smem:$0x3FB3] =	sst s7  }
0x10: {  	[smem:$0x3FB4] =	sst s8  }
0x11: {  	[smem:$0x3FB5] =	sst s9;
	s0 =	simm.s32 @!p0 $0x0  }
0x12: {  	s1 =	sld [smem:$0x3F9B];
	s0 =	simm.s32 @p0 $0x1  }
0x13: {  	[smem:$0x3FB6] =	sst s0;
	s0 =	simm.s32 @!p1 $0x0  }
0x14: {  	s2 =	sld [smem:$0x3F9A];
	s0 =	simm.s32 @p1 $0x1  }
0x15: {  	[smem:$0x3FB7] =	sst s0;
	s0 =	simm.s32 @!p2 $0x0  }
0x16: {  	s3 =	sld [smem:$0x3FDB];
	s0 =	simm.s32 @p2 $0x1  }
0x17: {  	s4 =	simm.s32 $0x1BF5;
	[smem:$0x3FB9] =	sst s0  }
0x18: {  	s0 =	sld [smem:$0x3F9C];
	_ =	swait.ge [sflag:s4], $0x0  }
0x19: {  	s7 =	sld [smem:$0x3F9D]  }
0x1a: {  	s8 =	sadd.s32 $0xFFFFE003, lr  }
0x1b: {  	s9 =	sadd.s32 $0xFFFFFEF7, lr;
	s5 =	simm.s32 $0xFFFFFFFF;
	p2 =	slt.u32 s8, $0xFFFFF086  }
0x1c: {  	p1 =	slt.u32 s9, $0xF7A;
	s5 =	simm.s32 @!p2 $0x0  }
0x1d: {  	s5 =	simm.s32 @p1 $0x1;
	p0 =	seq.s32 s7, s2  }
0x1e: {  	s7 =	smul.u32 @!p0 $0xF7A, s2;
	p2 =	seq.s32 @!p0 s5, $0x0  }
0x1f: {  	s9 =	smul.u32 $0xF7A, s1;
	s8 =	simm.s32 @!p0 $0x1BF5;
	p2 =	por !p2, p0  }
0x20: {  	[sflag:s8] =	ssyncset.s32 @!p0 $0xFFFFF086;
	s6 =	sadd.s32 @!p0 s3, s7;
	s7 =	simm.s32 @!p0 $0x108  }
0x21: {  	s3 =	sadd.s32 s3, s9;
	s6 =	sadd.s32 @!p0 $0x88, s6;
	s7 =	simm.s32 @p2 $0x1082  }
0x22: {  	[simem:s7], [sflag:s8] =	dma.local @!p0 [hbm:s6], $0xF7A  }
0x23: {  	s9 =	sor.u32 $0xD0000000, s2;
	s6 =	simm.s32 $0x108;
	_ =	swait.ge @!p0 [sflag:s8], $0x0  }
0x24: {  	s3 =	sadd.s32 $0x88, s3;
	s6 =	simm.s32 @!p1 $0x1082;
	[sflag:s4] =	ssyncset.s32 $0xFFFFF086  }
0x25: {  	[simem:s6], [sflag:s4] =	dma.local [hbm:s3], $0xF7A  }
0x26: {  	[smem:$0x3F9D] =	sst s1;
	(tag) =	ssettag s2;
	_ =	strace s9  }
0x27: {  	s1 =	sld [smem:$0x3FAD]  }
0x28: {  	s2 =	sld [smem:$0x3FAE]  }
0x29: {  	s4 =	sld [smem:$0x3FB0]  }
0x2a: {  	p0 =	seq.s32 s5, $0x0;
	s5 =	sld [smem:$0x3FB1]  }
0x2b: {  	s6 =	sld [smem:$0x3FB2]  }
0x2c: {  	s7 =	sld [smem:$0x3FB3]  }
0x2d: {  	s3 =	simm.s32 $0x108;
	s8 =	sld [smem:$0x3FB4]  }
0x2e: {  	s3 =	simm.s32 @!p0 $0x1082;
	s9 =	sld [smem:$0x3FB5]  }
0x2f: {  	lr =	sadd.s32 s0, s3;
	s0 =	sld [smem:$0x3FAC]  }
0x30: {  	s3 =	sld [smem:$0x3FAF]  }
0x31: {  	[smem:$0x3FB8] =	sst s10  }
0x32: {  	s10 =	sld [smem:$0x3FB6];
	_ =	sdelay $0x3  }
0x33: {  	p0 =	seq.s32 s10, $0x1;
	s10 =	sld [smem:$0x3FB8];
	_ =	sdelay $0x3  }
0x34: {  	[smem:$0x3FB8] =	sst s10  }
0x35: {  	s10 =	sld [smem:$0x3FB7];
	_ =	sdelay $0x3  }
0x36: {  	p1 =	seq.s32 s10, $0x1;
	s10 =	sld [smem:$0x3FB8];
	_ =	sdelay $0x3  }
0x37: {  	[smem:$0x3FB8] =	sst s10  }
0x38: {  	s10 =	sld [smem:$0x3FB9]  }
0x39: {  	_ = 	snop;
	(pc) =	sbr.ind lr, $3  }
0x3a: {  	_ = 	snop  }
0x3b: {  	_ = 	snop  }
0x3c: {  	p2 =	seq.s32 s10, $0x1;
	s10 =	sld [smem:$0x3FB8]  }
0x3d: {  	_ =	shalt  }
0x3e: {  	_ =	shalt  }
0x3f: {  	_ =	shalt  }
0x40: {  	_ =	shalt  }
0x41: {  	_ =	shalt  }
0x42: {  	_ =	shalt  }
0x43: {  	_ =	shalt  }
0x44: {  	_ =	shalt  }
0x45: {  	_ =	shalt  }
0x46: {  	_ =	shalt  }
0x47: {  	_ =	shalt  }
0x48: {  	_ =	shalt  }
0x49: {  	_ =	shalt  }
0x4a: {  	_ =	shalt  }
0x4b: {  	_ =	shalt  }
0x4c: {  	_ =	shalt  }
0x4d: {  	_ =	shalt  }
0x4e: {  	_ =	shalt  }
0x4f: {  	_ =	shalt  }
0x50: {  	_ =	shalt  }
0x51: {  	_ =	shalt  }
0x52: {  	_ =	shalt  }
0x53: {  	_ =	shalt  }
0x54: {  	_ =	shalt  }
0x55: {  	_ =	shalt  }
0x56: {  	_ =	shalt  }
0x57: {  	_ =	shalt  }
0x58: {  	_ =	shalt  }
0x59: {  	_ =	shalt  }
0x5a: {  	_ =	shalt  }
0x5b: {  	_ =	shalt  }
0x5c: {  	_ =	shalt  }
0x5d: {  	_ =	shalt  }
0x5e: {  	_ =	shalt  }
0x5f: {  	_ =	shalt  }
0x60: {  	_ =	shalt  }
0x61: {  	_ =	shalt  }
0x62: {  	_ =	shalt  }
0x63: {  	_ =	shalt  }
0x64: {  	_ =	shalt  }
0x65: {  	_ =	shalt  }
0x66: {  	_ =	shalt  }
0x67: {  	_ =	shalt  }
0x68: {  	_ =	shalt  }
0x69: {  	_ =	shalt  }
0x6a: {  	_ =	shalt  }
0x6b: {  	_ =	shalt  }
0x6c: {  	_ =	shalt  }
0x6d: {  	_ =	shalt  }
0x6e: {  	_ =	shalt  }
0x6f: {  	_ =	shalt  }
0x70: {  	_ =	shalt  }
0x71: {  	_ =	shalt  }
0x72: {  	_ =	shalt  }
0x73: {  	_ =	shalt  }
0x74: {  	_ =	shalt  }
0x75: {  	_ =	shalt  }
0x76: {  	_ =	shalt  }
0x77: {  	_ =	shalt  }
0x78: {  	_ =	shalt  }
0x79: {  	_ =	shalt  }
0x7a: {  	_ =	shalt  }
0x7b: {  	_ =	shalt  }
0x7c: {  	_ =	shalt  }
0x7d: {  	_ =	shalt  }
0x7e: {  	_ =	shalt  }
0x7f: {  	_ =	shalt  }
0x80: {  	_ =	shalt  }
0x81: {  	_ =	shalt  }
0x82: {  	_ =	shalt  }
0x83: {  	_ =	shalt  }
0x84: {  	_ =	shalt  }
0x85: {  	_ =	shalt  }
0x86: {  	_ =	shalt  }
0x87: {  	_ =	shalt  }
.Lfunc_end0:
.L_simem_size_0:
called_computation.1_lowered:
.L_overlay_start_0:
0x88: {  	s2 =	sld [smem:$0x3FD9]  }
0x89: {  	s3 =	sld [smem:$0x3FFE];
	_ =	sdelay $0x1  }
0x8a: {  	s1 =	srdreg.scid  }
0x8b: {  	s0 =	sand.u32 $0x1, s1  }
0x8c: {  	s17 =	sshll.u32 s0, $0xA;
	s2 =	sadd.s32 s3, s2  }
0x8d: {  	s2 =	sadd.s32 s2, s17  }
0x8e: {  	[smem:$0x3FC4] =	sst s2  }
0x8f: {  	_ = 	snop  }
0x90: {  	s2 =	sld [smem:$0x3FD0];
	(tm) =	ssettm $0x1  }
0x91: {  	s18 =	sld [smem:$0x3FFB];
	_ =	sdelay $0x3  }
0x92: {  	_ =	strace s18  }
0x93: {  	s3 =	sld [smem:$0x3FFC];
	_ =	sdelay $0x3  }
0x94: {  	_ =	strace s3  }
0x95: {  	s3 =	sld [smem:$0x3FFD];
	_ =	sdelay $0x3  }
0x96: {  	_ =	strace s3  }
0x97: {  	_ =	strace $0x8FFFFFFF  }
0x98: {  	s19 =	sld [smem:$0x3FDB];
	_ =	sdelay $0x1  }
0x99: {  	s4 =	simm.s32 $_scs_section_size  }
0x9a: {  	s5 =	simm.s32 $_size__tile_overlayer_lowered;
	s6 =	simm.s32 $_tile_overlayer_lowered  }
0x9b: {  	s22 =	simm.s32 $0x1BFF;
	s21 =	sshll.u32 s6, $0x1;
	s3 =	sadd.s32 s4, s19  }
0x9c: {  	s7 =	simm.s32 $0x0;
	s20 =	sshll.u32 s5, $0x1;
	s5 =	sadd.s32 s21, s3  }
0x9d: {  	[timem:s7], [sflag:s22] =	dma.local [hbm:s5], s20  }
0x9e: {  	_ =	swait.ge [sflag:s22], s20  }
0x9f: {  	s4 =	ssub.s32 $0x0, s20;
	[sflag:s22] =	ssyncset.done $0x0  }
0xa0: {  	[sflag:s22] =	ssyncadd.s32 s4;
	_ =	sdelay $0x1  }
0xa1: {  	s23 =	simm.s32 $0x1B8B  }
0xa2: {  	_ =	swait.ge [sflag:s23], $0x1  }
0xa3: {  	[sflag:s23] =	ssyncset.done $0x0  }
0xa4: {  	s25 =	simm.s32 $0x1B8E;
	s24 =	sld [smem:$0x3FFE];
	[sflag:s23] =	ssyncadd.s32 $0xFFFFFFFF  }
0xa5: {  	s26 =	simm.s32 $execute0_lowered;
	[smem:$0x3FD2] =	sst s25  }
0xa6: {  	s5 =	sshll.u32 s26, $0x1;
	_ =	strace $0x80000049;
	[dreg:$0x1] =	wrdreg $0xFFFFFFFF  }
0xa7: {  	s28 =	simm.s32 $_size_execute0_lowered;
	s3 =	sadd.s32 s3, s5;
	[dreg:$0x0] =	wrdreg $0x0  }
0xa8: {  	s5 =	sshll.u32 s28, $0x1;
	[dreg:$0x2] =	wrdreg s3  }
0xa9: {  	[dreg:$0x3] =	wrdreg s5  }
0xaa: {  	[dreg:$0x4] =	wrdreg $0xC0  }
0xab: {  	_ =	task [dreg:s7], $0x5FFFF  }
0xac: {  	[dreg:$0x1] =	wrdreg $0xFFFFFFFF  }
0xad: {  	[dreg:$0x0] =	wrdreg $0x60  }
0xae: {  	[dreg:$0x2] =	wrdreg s2  }
0xaf: {  	[dreg:$0x3] =	wrdreg s24  }
0xb0: {  	[dreg:$0x4] =	wrdreg $0xB5400  }
0xb1: {  	[dreg:$0x5] =	wrdreg $0x9  }
0xb2: {  	_ =	task.clear_ibuf [dreg:s7], $0x6FFFF;
	_ =	strace $0x90000049  }
0xb3: {  	s29 =	simm.s32 $0x9;
	_ =	strace $0x8000004B  }
0xb4: {  	_ =	swait.ge [sflag:s29], $0x1  }
0xb5: {  	[sflag:s29] =	ssyncadd.s32 $0xFFFFFFFF  }
0xb6: {  	_ =	strace $0x9000004B  }
0xb7: {  	_ =	sfence  }
0xb8: {  	s30 =	sld [smem:$0x0];
	_ =	sdelay $0x2  }
0xb9: {  	s31 =	sshll.u32 s1, $0xD;
	s1 =	sshrl.u32 s1, $0x2  }
0xba: {  	s3 =	sand.u32 $0x4000, s31;
	s1 =	sadd.s32 s1, s30  }
0xbb: {  	s0 =	sor.u32 s3, s0;
	s1 =	sshll.u32 s1, $0x11  }
0xbc: {  	s0 =	sor.u32 s1, s0  }
0xbd: {  	s0 =	sadd.s32 $0x8F2B, s0  }
0xbe: {  	[sflag:s0] =	ssyncadd.remote.s32 $0x1  }
0xbf: {  	_ =	sfence.sel $0xFFFF  }
0xc0: {  	[dreg:$0x0] =	wrdreg $0xFFFFFFFF;
	(pc) =	sbr.abs _section_cstart, $3  }
0xc1: {  	[dreg:$0x1] =	wrdreg $0xFFFFFFFF  }
0xc2: {  	_ =	task.clear_ibuf [dreg:s7], $0x2FFFF;
	_ =	strace $0x9FFFFFFF  }
0xc3: {  	(tm) =	ssettm $0x7FFFFFFF  }
tec
execute0_lowered:
.L_overlay_start_1:
0x0: {  	(tag) =	ssettag $0x1  }
0x1: {  	s2 =	rddreg [dreg:$0x0]  }
0x2: {  	s4 =	rddreg [dreg:$0x1];
	s0 =	srdreg.scid  }
0x3: {  	s6 =	rddreg [dreg:$0x2];
	s1 =	stileid.u32  }
0x4: {  	s3 =	simm.s32 $0x0;
	s11 =	simm.s32 $0x64;
	s12 =	simm.s32 $0x5140  }
0x5: {  	s13 =	simm.s32 $0x68;
	s14 =	simm.s32 $0x8340;
	s17 =	simm.s32 $0x1  }
0x6: {  	s18 =	simm.s32 $0x2;
	s5 =	sand.u32 $0x1, s0;
	s0 =	rddreg [dreg:$0x3]  }
0x7: {  	s19 =	simm.s32 $0x0;
	s8 =	smul.u32 $0x13880, s1;
	[smem:$0x7FF] =	sst s3  }
0x8: {  	s15 =	sshll.u32 s1, $0x6;
	s7 =	sshll.u32 s5, $0x4;
	s9 =	smul.u32 $0x138800, s5  }
0x9: {  	_ =	strace $0x8000004A;
	s5 =	ssub.s32 $0x2, s5;
	s15 =	sor.u32 $0x1C03, s15  }
0xa: {  	s7 =	sor.u32 s1, s7;
	s10 =	sshrl.u32 s5, $0x1;
	s16 =	sadd.s32 s8, s6  }
0xb: {  	s31 =	sshrl.u32 s8, $0x3;
	s7 =	smul.u32 $0x514, s7;
	s9 =	sadd.s32 s8, s9  }
0xc: {  	s10 =	ssub.s32 s5, s10;
	s6 =	sadd.s32 s2, s31;
	s16 =	sshrl.u32 s16, $0x3  }
0xd: {  	s9 =	sshrl.u32 s9, $0x3;
	s8 =	smax.u32 s10, $0x1;
	s7 =	sadd.s32 s7, s4  }
0xe: {  	s10 =	simm.s32 $0x28A0;
	s9 =	sadd.s32 s9, s4;
	s4 =	sadd.s32 $0xB800, s7  }
0xf: {  	s5 =	sadd.s32 $0x15C00, s7;
	s7 =	sadd.s32 $0x20000, s9;
	s9 =	simm.s32 $0x3  }
.LBB2_1:
0x10: {  	[tilespmem:s3], [sflag:$0x3] =	stream.linear.gather [hbm4b:s4+s3], $0x28A0, $0x38;
	[tilespmem:$0x1EDC0] =	vst v63  }
0x11: {  	_ =	swait.ge [sflag:s9], $0x28A0  }
0x12: {  	[sflag:s9] =	ssyncset.done $0x0  }
0x13: {  	[sflag:s9] =	ssyncadd.s32 $0xFFFFD760  }
0x14: {  	[tilespmem:s10], [sflag:$0x3] =	stream.linear.gather [hbm4b:s5+s3], $0x28A0, $0x38;
	[tilespmem:$0x1EDC0] =	vst v63  }
0x15: {  	_ =	swait.ge [sflag:s9], $0x28A0  }
0x16: {  	[sflag:s9] =	ssyncset.done $0x0  }
0x17: {  	[sflag:s9] =	ssyncadd.s32 $0xFFFFD760  }
0x18: {  	[tilespmem:s12], [sflag:$0x1] =	stream.indirect.gather [hbm4b:s2+s11], $0x80, s3, s11, $0xb8;
	[tilespmem:$0x1EDC0] =	vst v63  }
0x19: {  	_ = 	snop  }
0x1a: {  	[tilespmem:s14], [sflag:$0x2] =	stream.indirect.gather [hbm4b:s2+s11], $0x80, s13, s11, $0xb8;
	[tilespmem:$0x1EDC0] =	vst v63  }
0x1b: {  	[spmem:s16], [sflag:s15] =	dma.local [hbm:s6], $0x2710  }
0x1c: {  	_ =	swait.ge [sflag:s9], $0x2710  }
0x1d: {  	[sflag:s9] =	ssyncset.done $0x0  }
0x1e: {  	[sflag:s9] =	ssyncadd.s32 $0xFFFFD8F0  }
0x1f: {  	[bflag:$0x0] =	sbarrier.arrive $0xFFFF  }
0x20: {  	_ =	swait.ge [sflag:s17], $0x3200  }
0x21: {  	[sflag:s17] =	ssyncset.done $0x0  }
0x22: {  	s20 =	simm.s32 $0xD0;
	[sflag:s17] =	ssyncadd.s32 $0xFFFFCE00  }
0x23: {  	[tilespmem:s12], [sflag:$0x1] =	stream.indirect.gather [hbm4b:s2+s11], $0x80, s20, s11, $0xb8;
	[tilespmem:$0x1EDC0] =	vst v63  }
0x24: {  	_ =	swait.ge [sflag:s18], $0x3200  }
0x25: {  	[sflag:s18] =	ssyncset.done $0x0  }
0x26: {  	s21 =	simm.s32 $0x138;
	s20 =	simm.s32 $0xFFFF6400;
	[sflag:s18] =	ssyncadd.s32 $0xFFFFCE00  }
.LBB2_2:
0x27: {  	[tilespmem:s14], [sflag:$0x2] =	stream.indirect.gather [hbm4b:s2+s11], $0x80, s21, s11, $0xb8;
	[tilespmem:$0x1EDC0] =	vst v63  }
0x28: {  	s21 =	smov.u32 s20  }
0x29: {  	p0 =	sne.s32 s20, $0xFFFFFCC0;
	s20 =	sadd.s32 $0x340, s20;
	_ =	swait.ge [sflag:s17], $0x3200  }
0x2a: {  	s21 =	sshra.s32 s21, $0x2;
	[sflag:s17] =	ssyncset.done $0x0  }
.Ltmp0:
0x2b: {  	s22 =	sadd.s32 $0x28A0, s21;
	[sflag:s17] =	ssyncadd.s32 $0xFFFFCE00;
	(pc) =	sbr.rel @p0 .LBB2_2-.Ltmp0, $4  }
0x2c: {  	[tilespmem:s12], [sflag:$0x1] =	stream.indirect.gather [hbm4b:s2+s11], $0x80, s22, s11, $0xb8;
	[tilespmem:$0x1EDC0] =	vst v63  }
0x2d: {  	_ =	swait.ge [sflag:s18], $0x3200  }
0x2e: {  	[sflag:s18] =	ssyncset.done $0x0  }
0x2f: {  	s21 =	sadd.s32 $0x2908, s21;
	[sflag:s18] =	ssyncadd.s32 $0xFFFFCE00  }
0x30: {  	[tilespmem:s14], [sflag:$0x2] =	stream.indirect.gather [hbm4b:s2+s11], $0x80, s21, s11, $0xb8;
	[tilespmem:$0x1EDC0] =	vst v63  }
0x31: {  	_ =	swait.ge [sflag:s17], $0x3200  }
0x32: {  	[sflag:s17] =	ssyncset.done $0x0  }
0x33: {  	[sflag:s17] =	ssyncadd.s32 $0xFFFFCE00  }
0x34: {  	_ =	swait.ge [sflag:s18], $0x3200  }
0x35: {  	s19 =	sadd.s32 $0x1, s19;
	[sflag:s18] =	ssyncset.done $0x0  }
0x36: {  	p0 =	sne.s32 s19, s8;
	[sflag:s18] =	ssyncadd.s32 $0xFFFFCE00  }
.Ltmp1:
0x37: {  	[bflag:$0x0] =	sbarrier.arrive $0xFFFF;
	(pc) =	sbr.rel @p0 .LBB2_1-.Ltmp1, $4  }
0x38: {  	[hbm:s7], [sflag:s15] =	dma.local [spmem:s16], $0x2710  }
0x39: {  	_ =	swait.ge [sflag:s9], $0x2710  }
0x3a: {  	[sflag:s9] =	ssyncset.done $0x0  }
0x3b: {  	[sflag:s9] =	ssyncadd.s32 $0xFFFFD8F0  }
0x3c: {  	_ =	sfence.sel $0x180000  }
0x3d: {  	[bflag:$0x0] =	sbarrier.arrive $0xFFFF  }
0x3e: {  	p0 =	sne.s32 s1, $0x0;
	_ =	strace $0x9000004A  }
0x3f: {  	s0 =	sadd.s32 @!p0 $0x100000, s0;
	[bflag:$0x2] =	sbarrier.arrive $0xFFFF  }
0x40: {  	[sflag:s0] =	ssyncadd.tile.s32 @!p0 $0x1;
	_ =	shalt  }
.Lfunc_end2:
_tile_overlayer_lowered:
.L_overlay_start_2:
0x41: {  	(tag) =	ssettag $0x2  }
0x42: {  	s0 =	rddreg [dreg:$0x0];
	s2 =	stileid.u32  }
0x43: {  	s1 =	rddreg [dreg:$0x1];
	p0 =	sne.s32 s2, $0x0  }
0x44: {  	s3 =	rddreg [dreg:$0x2];
	[bflag:$0x3] =	sbarrier.arrive $0xFFFF;
	s2 =	simm.s32 @!p0 $0x1C03  }
0x45: {  	[timem:s3], [sflag:s2] =	dma.local @!p0 [hbm:s0], s1  }
0x46: {  	s0 =	simm.s32 @!p0 $0x3  }
0x47: {  	_ =	swait.ge @!p0 [sflag:s0], s1  }
0x48: {  	s1 =	ssub.s32 @!p0 $0x0, s1;
	[sflag:s0] =	ssyncset.done @!p0 $0x0  }
0x49: {  	[sflag:s0] =	ssyncadd.s32 @!p0 s1  }
0x4a: {  	[bflag:$0x3] =	sbarrier.arrive $0xFFFF  }
0x4b: {  	_ =	shalt  }

</sc_bundles>
